<compile_context>
chip_gen: v7x
topology: tpu7x:2x2x1
jax: 0.10.2.dev20260603
libtpu: 0.0.44.dev20260713+nightly
codegen_flags: <defaults>
</compile_context>

<pallas_src>
import functools

import numpy as np
import jax
import jax.numpy as jnp
from jax import lax
from jax.experimental import pallas as pl
from jax.experimental.pallas import tpu as pltpu
from jax.experimental.pallas import tpu_sc as plsc

_PATCH = 16
_HEIGHT = 512
_WIDTH = 512
_DEPTH = 128
_EMBED = 768


def _axis_positions(axis_num):
    n = axis_num // _PATCH
    idx = np.arange(n, dtype=np.float64)
    frm = np.round(idx * _PATCH / axis_num * _DEPTH).astype(np.int32)
    to = np.round((idx + 1) * _PATCH / axis_num * _DEPTH).astype(np.int32)
    return np.round((frm + to).astype(np.float64) / 2.0).astype(np.int32)


_ROW_AXIS = _axis_positions(_HEIGHT)
_COL_AXIS = _axis_positions(_WIDTH)
_NROWS = _HEIGHT // _PATCH
_NCOLS = _WIDTH // _PATCH

_GCHUNK = 8
_ROW_WORKERS = _NROWS // _GCHUNK
_COL_WORKERS = _NCOLS // _GCHUNK


@functools.partial(
    pl.kernel,
    mesh=plsc.VectorSubcoreMesh(core_axis_name="c", subcore_axis_name="s"),
    out_type=jax.ShapeDtypeStruct((_NROWS + _NCOLS, _EMBED), jnp.float32),
    scratch_types=[
        pltpu.VMEM((_GCHUNK,), jnp.int32),
        pltpu.VMEM((_GCHUNK, _EMBED), jnp.float32),
        pltpu.SemaphoreType.DMA,
    ],
)
def _sc_gather(row_hbm, col_hbm, ridx_hbm, cidx_hbm, out_hbm, idx_v, rows_v, sem):
    wid = lax.axis_index("s") * 2 + lax.axis_index("c")

    @pl.when(wid < _ROW_WORKERS)
    def _():
        base = wid * _GCHUNK
        pltpu.sync_copy(ridx_hbm.at[pl.ds(base, _GCHUNK)], idx_v)
        pltpu.async_copy(row_hbm.at[idx_v], rows_v, sem).wait()
        pltpu.sync_copy(rows_v, out_hbm.at[pl.ds(base, _GCHUNK)])

    @pl.when((wid >= _ROW_WORKERS) & (wid < _ROW_WORKERS + _COL_WORKERS))
    def _():
        base = (wid - _ROW_WORKERS) * _GCHUNK
        pltpu.sync_copy(cidx_hbm.at[pl.ds(base, _GCHUNK)], idx_v)
        pltpu.async_copy(col_hbm.at[idx_v], rows_v, sem).wait()
        pltpu.sync_copy(rows_v, out_hbm.at[pl.ds(_NROWS + base, _GCHUNK)])


def _add_kernel(gath_ref, x_ref, o_ref, enc_ref):
    @pl.when(pl.program_id(0) == 0)
    def _():
        rows = gath_ref[0:_NROWS, :]
        cols = gath_ref[_NROWS:_NROWS + _NCOLS, :]
        enc = rows[:, None, :] + cols[None, :, :]
        enc_ref[...] = enc.reshape(_NROWS * _NCOLS, _EMBED)

    o_ref[...] = x_ref[...] + enc_ref[...][None, :, :]


_BB = 4


def kernel(inputs, row_embedding, col_embedding):
    B, S, E = inputs.shape
    ridx = jnp.asarray(_ROW_AXIS, dtype=jnp.int32)
    cidx = jnp.asarray(_COL_AXIS, dtype=jnp.int32)
    gathered = _sc_gather(row_embedding, col_embedding, ridx, cidx)
    return pl.pallas_call(
        _add_kernel,
        grid=(B // _BB,),
        in_specs=[
            pl.BlockSpec((_NROWS + _NCOLS, E), lambda b: (0, 0)),
            pl.BlockSpec((_BB, S, E), lambda b: (b, 0, 0)),
        ],
        out_specs=pl.BlockSpec((_BB, S, E), lambda b: (b, 0, 0)),
        out_shape=jax.ShapeDtypeStruct((B, S, E), inputs.dtype),
        scratch_shapes=[pltpu.VMEM((S, E), jnp.float32)],
        compiler_params=pltpu.CompilerParams(
            vmem_limit_bytes=128 * 1024 * 1024,
        ),
    )(gathered, inputs)

# --- scband reference (transcript-rebuilt; emitter-appended) ---
"""Pipeline reference for scband-patch-position-encoding-10660108828971 (READ-ONLY COPY).

The authoritative reference and input builder live on the scoring server;
editing this copy changes nothing except your own understanding.
"""

import jax, jax.numpy as jnp
import numpy as np

PATCH = 16
HEIGHT = 512
WIDTH = 512
DEPTH = 128
EMBED_DIM = 768
BATCH = 32


def _eval_positions(axis_num):
    # replicates _discretize_interval + _rounded_mean_positions (eval path)
    n = axis_num // PATCH
    idx = np.arange(n, dtype=np.float64)
    frm = np.round(idx * PATCH / axis_num * DEPTH).astype(np.int32)
    to = np.round((idx + 1) * PATCH / axis_num * DEPTH).astype(np.int32)
    pos = np.round((frm + to).astype(np.float64) / 2.0).astype(np.int32)
    return pos


def _broadcast_positions():
    n_rows = HEIGHT // PATCH
    n_cols = WIDTH // PATCH
    row_axis = _eval_positions(HEIGHT)
    col_axis = _eval_positions(WIDTH)
    # row_pos: each row index repeated n_cols times; col_pos: col indices tiled n_rows times
    row_pos = np.repeat(row_axis, n_cols)
    col_pos = np.tile(col_axis, n_rows)
    return jnp.asarray(row_pos, dtype=jnp.int32), jnp.asarray(col_pos, dtype=jnp.int32)


def setup_inputs(seed: int = 0) -> dict:
    key = jax.random.key(seed)
    k1, k2, k3 = jax.random.split(key, 3)
    inputs = jax.random.normal(k1, (BATCH, (HEIGHT // PATCH) * (WIDTH // PATCH), EMBED_DIM), dtype=jnp.float32)
    row_embedding = jax.random.normal(k2, (DEPTH, EMBED_DIM), dtype=jnp.float32) * 0.02
    col_embedding = jax.random.normal(k3, (DEPTH, EMBED_DIM), dtype=jnp.float32) * 0.02
    return {"inputs": inputs, "row_embedding": row_embedding, "col_embedding": col_embedding}


def reference(inputs, row_embedding, col_embedding):
    row_pos, col_pos = _broadcast_positions()  # int32[1024] each, constants (stop_gradient in original)
    row_enc = jnp.take(row_embedding, row_pos, axis=0)  # [1024, 768]
    col_enc = jnp.take(col_embedding, col_pos, axis=0)  # [1024, 768]
    return inputs + row_enc[None, :, :] + col_enc[None, :, :]

if __name__ == "__main__":
    import jax
    _d = setup_inputs()
    print(jax.jit(kernel)(*tuple(_d.values())))

</pallas_src>

<mosaic_0001>
#map = affine_map<(d0, d1) -> (0, 0)>
#map1 = affine_map<(d0, d1) -> (0)>
module attributes {stable_mosaic.version = 14 : i64} {
  func.func @_sc_gather(%arg0: i32, %arg1: i32, %arg2: memref<128x768xf32, #tpu.memory_space<hbm>>, %arg3: memref<128x768xf32, #tpu.memory_space<hbm>>, %arg4: memref<32xi32, #tpu.memory_space<hbm>>, %arg5: memref<32xi32, #tpu.memory_space<hbm>>, %arg6: memref<64x768xf32, #tpu.memory_space<hbm>>, %arg7: memref<8xi32, #tpu.memory_space<vmem>>, %arg8: memref<8x768xf32, #tpu.memory_space<vmem>>, %arg9: memref<!tpu.dma_semaphore, #tpu.memory_space<semaphore_mem>>) attributes {dimension_semantics = [#tpu.dimension_semantics<core_parallel>, #tpu.dimension_semantics<subcore_parallel>], iteration_bounds = array<i64: 2, 16>, scalar_prefetch = 0 : i64, scratch_operands = 3 : i64, tpu.core_type = #tpu.core_type<sc_vector_subcore>, window_params = [{transform_indices = #map}, {transform_indices = #map}, {transform_indices = #map1}, {transform_indices = #map1}, {transform_indices = #map}]} {
    %mul3A = arith.constant 2 : i32
    %mul3A_0 = arith.muli %arg1, %mul3A : i32
    %add3A = arith.addi %mul3A_0, %arg0 : i32
    %lt3A = arith.constant 4 : i32
    %lt3A_1 = arith.cmpi slt, %add3A, %lt3A : i32
    %convert_element_type3A = arith.extui %lt3A_1 : i1 to i32
    %cond3A = arith.constant 0 : i32
    %cond3A_2 = arith.cmpi ne, %convert_element_type3A, %cond3A : i32
    scf.if %cond3A_2 {
      %mul3A_9 = arith.constant 8 : i32
      %mul3A_10 = arith.muli %add3A, %mul3A_9 : i32
      "tpu.region"() ({
        %run_scoped3A = tpu.sem_alloc : memref<!tpu.dma_semaphore, #tpu.memory_space<semaphore_mem>>
        %dma_start3A_15 = tpu.memref_slice %arg4[%mul3A_10] : memref<32xi32, #tpu.memory_space<hbm>> -> memref<8xi32, #tpu.memory_space<hbm>>
        %dma_start3A_16 = tpu.memref_slice %arg4[%mul3A_10] : memref<32xi32, #tpu.memory_space<hbm>> -> memref<8xi32, #tpu.memory_space<hbm>>
        tpu.enqueue_dma source(%dma_start3A_16 : memref<8xi32, #tpu.memory_space<hbm>>) target(%arg7 : memref<8xi32, #tpu.memory_space<vmem>>) target_semaphore(%run_scoped3A : memref<!tpu.dma_semaphore, #tpu.memory_space<semaphore_mem>>)
        %dma_wait3A_17 = tpu.memref_slice %arg4[%mul3A_10] : memref<32xi32, #tpu.memory_space<hbm>> -> memref<8xi32, #tpu.memory_space<hbm>>
        %dma_wait3A_18 = tpu.memref_slice %arg4[%mul3A_10] : memref<32xi32, #tpu.memory_space<hbm>> -> memref<8xi32, #tpu.memory_space<hbm>>
        tpu.wait_dma2 semaphore(%run_scoped3A : memref<!tpu.dma_semaphore, #tpu.memory_space<semaphore_mem>>) src(%dma_wait3A_18 : memref<8xi32, #tpu.memory_space<hbm>>) dst(%arg7 : memref<8xi32, #tpu.memory_space<vmem>>)
        tpu.yield
      }) : () -> ()
      %dma_start3A = arith.constant 0 : i32
      %dma_start3A_11 = arith.constant 0 : i32
      %dma_start3A_12 = tpu.memref_slice %arg2[%dma_start3A, %dma_start3A_11] : memref<128x768xf32, #tpu.memory_space<hbm>> -> memref<128x768xf32, #tpu.memory_space<hbm>>
      tpu.enqueue_indirect_dma source(%dma_start3A_12 : memref<128x768xf32, #tpu.memory_space<hbm>>) target(%arg8 : memref<8x768xf32, #tpu.memory_space<vmem>>) offsets(%arg7 : memref<8xi32, #tpu.memory_space<vmem>>) semaphore(%arg9 : memref<!tpu.dma_semaphore, #tpu.memory_space<semaphore_mem>>)
      %dma_wait3A = arith.constant 0 : i32
      %dma_wait3A_13 = arith.constant 0 : i32
      %dma_wait3A_14 = tpu.memref_slice %arg2[%dma_wait3A, %dma_wait3A_13] : memref<128x768xf32, #tpu.memory_space<hbm>> -> memref<128x768xf32, #tpu.memory_space<hbm>>
      tpu.wait_indirect_dma semaphore(%arg9 : memref<!tpu.dma_semaphore, #tpu.memory_space<semaphore_mem>>) src(%dma_wait3A_14 : memref<128x768xf32, #tpu.memory_space<hbm>>) dst(%arg8 : memref<8x768xf32, #tpu.memory_space<vmem>>)
      "tpu.region"() ({
        %run_scoped3A = tpu.sem_alloc : memref<!tpu.dma_semaphore, #tpu.memory_space<semaphore_mem>>
        %dma_start3A_15 = arith.constant 0 : i32
        %dma_start3A_16 = tpu.memref_slice %arg6[%mul3A_10, %dma_start3A_15] : memref<64x768xf32, #tpu.memory_space<hbm>> -> memref<8x768xf32, #tpu.memory_space<hbm>>
        %dma_start3A_17 = arith.constant 0 : i32
        %dma_start3A_18 = tpu.memref_slice %arg6[%mul3A_10, %dma_start3A_17] : memref<64x768xf32, #tpu.memory_space<hbm>> -> memref<8x768xf32, #tpu.memory_space<hbm>>
        tpu.enqueue_dma source(%arg8 : memref<8x768xf32, #tpu.memory_space<vmem>>) target(%dma_start3A_18 : memref<8x768xf32, #tpu.memory_space<hbm>>) target_semaphore(%run_scoped3A : memref<!tpu.dma_semaphore, #tpu.memory_space<semaphore_mem>>)
        %dma_wait3A_19 = arith.constant 0 : i32
        %dma_wait3A_20 = tpu.memref_slice %arg6[%mul3A_10, %dma_wait3A_19] : memref<64x768xf32, #tpu.memory_space<hbm>> -> memref<8x768xf32, #tpu.memory_space<hbm>>
        %dma_wait3A_21 = arith.constant 0 : i32
        %dma_wait3A_22 = tpu.memref_slice %arg6[%mul3A_10, %dma_wait3A_21] : memref<64x768xf32, #tpu.memory_space<hbm>> -> memref<8x768xf32, #tpu.memory_space<hbm>>
        tpu.wait_dma2 semaphore(%run_scoped3A : memref<!tpu.dma_semaphore, #tpu.memory_space<semaphore_mem>>) src(%arg8 : memref<8x768xf32, #tpu.memory_space<vmem>>) dst(%dma_wait3A_22 : memref<8x768xf32, #tpu.memory_space<hbm>>)
        tpu.yield
      }) : () -> ()
    } else {
    }
    %ge3A = arith.constant 4 : i32
    %ge3A_3 = arith.cmpi sge, %add3A, %ge3A : i32
    %lt3A_4 = arith.constant 8 : i32
    %lt3A_5 = arith.cmpi slt, %add3A, %lt3A_4 : i32
    %and3A = arith.andi %ge3A_3, %lt3A_5 : i1
    %convert_element_type3A_6 = arith.extui %and3A : i1 to i32
    %cond3A_7 = arith.constant 0 : i32
    %cond3A_8 = arith.cmpi ne, %convert_element_type3A_6, %cond3A_7 : i32
    scf.if %cond3A_8 {
      %sub3A = arith.constant 4 : i32
      %sub3A_9 = arith.subi %add3A, %sub3A : i32
      %mul3A_10 = arith.constant 8 : i32
      %mul3A_11 = arith.muli %sub3A_9, %mul3A_10 : i32
      "tpu.region"() ({
        %run_scoped3A = tpu.sem_alloc : memref<!tpu.dma_semaphore, #tpu.memory_space<semaphore_mem>>
        %dma_start3A_18 = tpu.memref_slice %arg5[%mul3A_11] : memref<32xi32, #tpu.memory_space<hbm>> -> memref<8xi32, #tpu.memory_space<hbm>>
        %dma_start3A_19 = tpu.memref_slice %arg5[%mul3A_11] : memref<32xi32, #tpu.memory_space<hbm>> -> memref<8xi32, #tpu.memory_space<hbm>>
        tpu.enqueue_dma source(%dma_start3A_19 : memref<8xi32, #tpu.memory_space<hbm>>) target(%arg7 : memref<8xi32, #tpu.memory_space<vmem>>) target_semaphore(%run_scoped3A : memref<!tpu.dma_semaphore, #tpu.memory_space<semaphore_mem>>)
        %dma_wait3A_20 = tpu.memref_slice %arg5[%mul3A_11] : memref<32xi32, #tpu.memory_space<hbm>> -> memref<8xi32, #tpu.memory_space<hbm>>
        %dma_wait3A_21 = tpu.memref_slice %arg5[%mul3A_11] : memref<32xi32, #tpu.memory_space<hbm>> -> memref<8xi32, #tpu.memory_space<hbm>>
        tpu.wait_dma2 semaphore(%run_scoped3A : memref<!tpu.dma_semaphore, #tpu.memory_space<semaphore_mem>>) src(%dma_wait3A_21 : memref<8xi32, #tpu.memory_space<hbm>>) dst(%arg7 : memref<8xi32, #tpu.memory_space<vmem>>)
        tpu.yield
      }) : () -> ()
      %dma_start3A = arith.constant 0 : i32
      %dma_start3A_12 = arith.constant 0 : i32
      %dma_start3A_13 = tpu.memref_slice %arg3[%dma_start3A, %dma_start3A_12] : memref<128x768xf32, #tpu.memory_space<hbm>> -> memref<128x768xf32, #tpu.memory_space<hbm>>
      tpu.enqueue_indirect_dma source(%dma_start3A_13 : memref<128x768xf32, #tpu.memory_space<hbm>>) target(%arg8 : memref<8x768xf32, #tpu.memory_space<vmem>>) offsets(%arg7 : memref<8xi32, #tpu.memory_space<vmem>>) semaphore(%arg9 : memref<!tpu.dma_semaphore, #tpu.memory_space<semaphore_mem>>)
      %dma_wait3A = arith.constant 0 : i32
      %dma_wait3A_14 = arith.constant 0 : i32
      %dma_wait3A_15 = tpu.memref_slice %arg3[%dma_wait3A, %dma_wait3A_14] : memref<128x768xf32, #tpu.memory_space<hbm>> -> memref<128x768xf32, #tpu.memory_space<hbm>>
      tpu.wait_indirect_dma semaphore(%arg9 : memref<!tpu.dma_semaphore, #tpu.memory_space<semaphore_mem>>) src(%dma_wait3A_15 : memref<128x768xf32, #tpu.memory_space<hbm>>) dst(%arg8 : memref<8x768xf32, #tpu.memory_space<vmem>>)
      %add3A_16 = arith.constant 32 : i32
      %add3A_17 = arith.addi %add3A_16, %mul3A_11 : i32
      "tpu.region"() ({
        %run_scoped3A = tpu.sem_alloc : memref<!tpu.dma_semaphore, #tpu.memory_space<semaphore_mem>>
        %dma_start3A_18 = arith.constant 0 : i32
        %dma_start3A_19 = tpu.memref_slice %arg6[%add3A_17, %dma_start3A_18] : memref<64x768xf32, #tpu.memory_space<hbm>> -> memref<8x768xf32, #tpu.memory_space<hbm>>
        %dma_start3A_20 = arith.constant 0 : i32
        %dma_start3A_21 = tpu.memref_slice %arg6[%add3A_17, %dma_start3A_20] : memref<64x768xf32, #tpu.memory_space<hbm>> -> memref<8x768xf32, #tpu.memory_space<hbm>>
        tpu.enqueue_dma source(%arg8 : memref<8x768xf32, #tpu.memory_space<vmem>>) target(%dma_start3A_21 : memref<8x768xf32, #tpu.memory_space<hbm>>) target_semaphore(%run_scoped3A : memref<!tpu.dma_semaphore, #tpu.memory_space<semaphore_mem>>)
        %dma_wait3A_22 = arith.constant 0 : i32
        %dma_wait3A_23 = tpu.memref_slice %arg6[%add3A_17, %dma_wait3A_22] : memref<64x768xf32, #tpu.memory_space<hbm>> -> memref<8x768xf32, #tpu.memory_space<hbm>>
        %dma_wait3A_24 = arith.constant 0 : i32
        %dma_wait3A_25 = tpu.memref_slice %arg6[%add3A_17, %dma_wait3A_24] : memref<64x768xf32, #tpu.memory_space<hbm>> -> memref<8x768xf32, #tpu.memory_space<hbm>>
        tpu.wait_dma2 semaphore(%run_scoped3A : memref<!tpu.dma_semaphore, #tpu.memory_space<semaphore_mem>>) src(%arg8 : memref<8x768xf32, #tpu.memory_space<vmem>>) dst(%dma_wait3A_25 : memref<8x768xf32, #tpu.memory_space<hbm>>)
        tpu.yield
      }) : () -> ()
    } else {
    }
    return
  }
}

module attributes {stable_mosaic.version = 14 : i64} {
  func.func @_add_kernel(%arg0: i32, %arg1: memref<64x768xf32, #tpu.memory_space<vmem>>, %arg2: memref<4x1024x768xf32, #tpu.memory_space<vmem>>, %arg3: memref<4x1024x768xf32, #tpu.memory_space<vmem>>, %arg4: memref<1024x768xf32, #tpu.memory_space<vmem>>) attributes {dimension_semantics = [#tpu.dimension_semantics<arbitrary>], iteration_bounds = array<i64: 8>, scalar_prefetch = 0 : i64, scratch_operands = 1 : i64, tpu.core_type = #tpu.core_type<tc>, window_params = [{pipeline_mode = #tpu.pipeline_mode<synchronous>, transform_indices = @transform_0, window_bounds = array<i64: 64, 768>}, {transform_indices = @transform_1, window_bounds = array<i64: 4, 1024, 768>}, {transform_indices = @transform_2, window_bounds = array<i64: 4, 1024, 768>}]} {
    %eq3A = arith.constant 0 : i32
    %eq3A_0 = arith.cmpi eq, %arg0, %eq3A : i32
    %convert_element_type3A = arith.extui %eq3A_0 : i1 to i32
    %cond3A = arith.constant 0 : i32
    %cond3A_1 = arith.cmpi ne, %convert_element_type3A, %cond3A : i32
    scf.if %cond3A_1 {
      %get3A_12 = arith.constant 0 : index
      %get3A_13 = arith.constant 0 : index
      %get3A_14 = vector.load %arg1[%get3A_12, %get3A_13] : memref<64x768xf32, #tpu.memory_space<vmem>>, vector<32x768xf32>
      %get3A_15 = arith.constant 32 : index
      %get3A_16 = arith.constant 0 : index
      %get3A_17 = vector.load %arg1[%get3A_15, %get3A_16] : memref<64x768xf32, #tpu.memory_space<vmem>>, vector<32x768xf32>
      %broadcast_in_dim3A_18 = vector.shape_cast %get3A_14 : vector<32x768xf32> to vector<32x1x768xf32>
      %broadcast_in_dim3A_19 = vector.shape_cast %get3A_17 : vector<32x768xf32> to vector<1x32x768xf32>
      %add3A_20 = vector.broadcast %broadcast_in_dim3A_18 : vector<32x1x768xf32> to vector<32x32x768xf32>
      %add3A_21 = vector.broadcast %broadcast_in_dim3A_19 : vector<1x32x768xf32> to vector<32x32x768xf32>
      %add3A_22 = arith.addf %add3A_20, %add3A_21 : vector<32x32x768xf32>
      %reshape3A = vector.shape_cast %add3A_22 : vector<32x32x768xf32> to vector<1024x768xf32>
      %swap3A_23 = arith.constant 0 : index
      %swap3A_24 = arith.constant 0 : index
      %swap3A_25 = vector.load %arg4[%swap3A_23, %swap3A_24] : memref<1024x768xf32, #tpu.memory_space<vmem>>, vector<1024x768xf32>
      tpu.vector_store %arg4[%swap3A_23, %swap3A_24], %reshape3A {strides = array<i32>} : memref<1024x768xf32, #tpu.memory_space<vmem>>, vector<1024x768xf32>,
    } else {
    }
    %get3A = arith.constant 0 : index
    %get3A_2 = arith.constant 0 : index
    %get3A_3 = arith.constant 0 : index
    %get3A_4 = vector.load %arg2[%get3A, %get3A_2, %get3A_3] : memref<4x1024x768xf32, #tpu.memory_space<vmem>>, vector<4x1024x768xf32>
    %get3A_5 = arith.constant 0 : index
    %get3A_6 = arith.constant 0 : index
    %get3A_7 = vector.load %arg4[%get3A_5, %get3A_6] : memref<1024x768xf32, #tpu.memory_space<vmem>>, vector<1024x768xf32>
    %broadcast_in_dim3A = vector.shape_cast %get3A_7 : vector<1024x768xf32> to vector<1x1024x768xf32>
    %add3A = vector.broadcast %broadcast_in_dim3A : vector<1x1024x768xf32> to vector<4x1024x768xf32>
    %add3A_8 = arith.addf %get3A_4, %add3A : vector<4x1024x768xf32>
    %swap3A = arith.constant 0 : index
    %swap3A_9 = arith.constant 0 : index
    %swap3A_10 = arith.constant 0 : index
    %swap3A_11 = vector.load %arg3[%swap3A, %swap3A_9, %swap3A_10] : memref<4x1024x768xf32, #tpu.memory_space<vmem>>, vector<4x1024x768xf32>
    tpu.vector_store %arg3[%swap3A, %swap3A_9, %swap3A_10], %add3A_8 {strides = array<i32>} : memref<4x1024x768xf32, #tpu.memory_space<vmem>>, vector<4x1024x768xf32>,
    return
  }
  func.func @transform_0(%arg0: i32) -> (i32, i32) {
    %c0_i32 = arith.constant 0 : i32
    %c0_i32_0 = arith.constant 0 : i32
    %c0_i32_1 = arith.constant 0 : i32
    return %c0_i32, %c0_i32_0 : i32, i32
  }
  func.func @transform_1(%arg0: i32) -> (i32, i32, i32) {
    %c0_i32 = arith.constant 0 : i32
    %c0_i32_0 = arith.constant 0 : i32
    %c0_i32_1 = arith.constant 0 : i32
    return %arg0, %c0_i32, %c0_i32_0 : i32, i32, i32
  }
  func.func @transform_2(%arg0: i32) -> (i32, i32, i32) {
    %c0_i32 = arith.constant 0 : i32
    %c0_i32_0 = arith.constant 0 : i32
    %c0_i32_1 = arith.constant 0 : i32
    return %arg0, %c0_i32, %c0_i32_0 : i32, i32, i32
  }
}

</mosaic_0001>

<sc_bundles>
// kernel: kernel.4.cloned.1.call-start
scs
__scs_entry_jumppad:
0x0: {  	(pc) =	sbr.rel $0x88, $3  }
0x1: {  	(tag) =	ssettag $0x0;
	lr =	simm.s32 $0x1  }
0x2: {  	[smem:$0x3F9E] =	sst lr;
	_ =	strace $0xD0000000  }
0x3: {  	_ = 	snop  }
0x4: {  	_ = 	snop  }
0x5: {  	_ = 	snop  }
0x6: {  	_ = 	snop  }
0x7: {  	_ = 	snop  }
__scs_overlays_trampoline_lowered:
0x8: {  	[smem:$0x3FAD] =	sst s0  }
0x9: {  	[smem:$0x3FAE] =	sst s1  }
0xa: {  	[smem:$0x3FAF] =	sst s2  }
0xb: {  	[smem:$0x3FB0] =	sst s3  }
0xc: {  	[smem:$0x3FB1] =	sst s4  }
0xd: {  	[smem:$0x3FB2] =	sst s5  }
0xe: {  	[smem:$0x3FB3] =	sst s6  }
0xf: {  	[smem:$0x3FB4] =	sst s7  }
0x10: {  	[smem:$0x3FB5] =	sst s8  }
0x11: {  	[smem:$0x3FB6] =	sst s9;
	s0 =	simm.s32 @!p0 $0x0  }
0x12: {  	s1 =	sld [smem:$0x3F9C];
	s0 =	simm.s32 @p0 $0x1  }
0x13: {  	[smem:$0x3FB7] =	sst s0;
	s0 =	simm.s32 @!p1 $0x0  }
0x14: {  	s2 =	sld [smem:$0x3F9B];
	s0 =	simm.s32 @p1 $0x1  }
0x15: {  	[smem:$0x3FB8] =	sst s0;
	s0 =	simm.s32 @!p2 $0x0  }
0x16: {  	s3 =	sld [smem:$0x3FDB];
	s0 =	simm.s32 @p2 $0x1  }
0x17: {  	s4 =	simm.s32 $0x1BF5;
	[smem:$0x3FBA] =	sst s0  }
0x18: {  	s0 =	sld [smem:$0x3F9D];
	_ =	swait.ge [sflag:s4], $0x0  }
0x19: {  	s7 =	sld [smem:$0x3F9E]  }
0x1a: {  	s8 =	sadd.s32 $0xFFFFE003, lr  }
0x1b: {  	s9 =	sadd.s32 $0xFFFFFEF7, lr;
	s5 =	simm.s32 $0xFFFFFFFF;
	p2 =	slt.u32 s8, $0xFFFFF086  }
0x1c: {  	p1 =	slt.u32 s9, $0xF7A;
	s5 =	simm.s32 @!p2 $0x0  }
0x1d: {  	s5 =	simm.s32 @p1 $0x1;
	p0 =	seq.s32 s7, s2  }
0x1e: {  	s7 =	smul.u32 @!p0 $0xF7A, s2;
	p2 =	seq.s32 @!p0 s5, $0x0  }
0x1f: {  	s9 =	smul.u32 $0xF7A, s1;
	s8 =	simm.s32 @!p0 $0x1BF5;
	p2 =	por !p2, p0  }
0x20: {  	[sflag:s8] =	ssyncset.s32 @!p0 $0xFFFFF086;
	s6 =	sadd.s32 @!p0 s3, s7;
	s7 =	simm.s32 @!p0 $0x108  }
0x21: {  	s3 =	sadd.s32 s3, s9;
	s6 =	sadd.s32 @!p0 $0x88, s6;
	s7 =	simm.s32 @p2 $0x1082  }
0x22: {  	[simem:s7], [sflag:s8] =	dma.local @!p0 [hbm:s6], $0xF7A  }
0x23: {  	s9 =	sor.u32 $0xD0000000, s2;
	s6 =	simm.s32 $0x108;
	_ =	swait.ge @!p0 [sflag:s8], $0x0  }
0x24: {  	s3 =	sadd.s32 $0x88, s3;
	s6 =	simm.s32 @!p1 $0x1082;
	[sflag:s4] =	ssyncset.s32 $0xFFFFF086  }
0x25: {  	[simem:s6], [sflag:s4] =	dma.local [hbm:s3], $0xF7A  }
0x26: {  	[smem:$0x3F9E] =	sst s1;
	(tag) =	ssettag s2;
	_ =	strace s9  }
0x27: {  	s1 =	sld [smem:$0x3FAE]  }
0x28: {  	s2 =	sld [smem:$0x3FAF]  }
0x29: {  	s4 =	sld [smem:$0x3FB1]  }
0x2a: {  	p0 =	seq.s32 s5, $0x0;
	s5 =	sld [smem:$0x3FB2]  }
0x2b: {  	s6 =	sld [smem:$0x3FB3]  }
0x2c: {  	s7 =	sld [smem:$0x3FB4]  }
0x2d: {  	s3 =	simm.s32 $0x108;
	s8 =	sld [smem:$0x3FB5]  }
0x2e: {  	s3 =	simm.s32 @!p0 $0x1082;
	s9 =	sld [smem:$0x3FB6]  }
0x2f: {  	lr =	sadd.s32 s0, s3;
	s0 =	sld [smem:$0x3FAD]  }
0x30: {  	s3 =	sld [smem:$0x3FB0]  }
0x31: {  	[smem:$0x3FB9] =	sst s10  }
0x32: {  	s10 =	sld [smem:$0x3FB7];
	_ =	sdelay $0x3  }
0x33: {  	p0 =	seq.s32 s10, $0x1;
	s10 =	sld [smem:$0x3FB9];
	_ =	sdelay $0x3  }
0x34: {  	[smem:$0x3FB9] =	sst s10  }
0x35: {  	s10 =	sld [smem:$0x3FB8];
	_ =	sdelay $0x3  }
0x36: {  	p1 =	seq.s32 s10, $0x1;
	s10 =	sld [smem:$0x3FB9];
	_ =	sdelay $0x3  }
0x37: {  	[smem:$0x3FB9] =	sst s10  }
0x38: {  	s10 =	sld [smem:$0x3FBA]  }
0x39: {  	_ = 	snop;
	(pc) =	sbr.ind lr, $3  }
0x3a: {  	_ = 	snop  }
0x3b: {  	_ = 	snop  }
0x3c: {  	p2 =	seq.s32 s10, $0x1;
	s10 =	sld [smem:$0x3FB9]  }
0x3d: {  	_ =	shalt  }
0x3e: {  	_ =	shalt  }
0x3f: {  	_ =	shalt  }
0x40: {  	_ =	shalt  }
0x41: {  	_ =	shalt  }
0x42: {  	_ =	shalt  }
0x43: {  	_ =	shalt  }
0x44: {  	_ =	shalt  }
0x45: {  	_ =	shalt  }
0x46: {  	_ =	shalt  }
0x47: {  	_ =	shalt  }
0x48: {  	_ =	shalt  }
0x49: {  	_ =	shalt  }
0x4a: {  	_ =	shalt  }
0x4b: {  	_ =	shalt  }
0x4c: {  	_ =	shalt  }
0x4d: {  	_ =	shalt  }
0x4e: {  	_ =	shalt  }
0x4f: {  	_ =	shalt  }
0x50: {  	_ =	shalt  }
0x51: {  	_ =	shalt  }
0x52: {  	_ =	shalt  }
0x53: {  	_ =	shalt  }
0x54: {  	_ =	shalt  }
0x55: {  	_ =	shalt  }
0x56: {  	_ =	shalt  }
0x57: {  	_ =	shalt  }
0x58: {  	_ =	shalt  }
0x59: {  	_ =	shalt  }
0x5a: {  	_ =	shalt  }
0x5b: {  	_ =	shalt  }
0x5c: {  	_ =	shalt  }
0x5d: {  	_ =	shalt  }
0x5e: {  	_ =	shalt  }
0x5f: {  	_ =	shalt  }
0x60: {  	_ =	shalt  }
0x61: {  	_ =	shalt  }
0x62: {  	_ =	shalt  }
0x63: {  	_ =	shalt  }
0x64: {  	_ =	shalt  }
0x65: {  	_ =	shalt  }
0x66: {  	_ =	shalt  }
0x67: {  	_ =	shalt  }
0x68: {  	_ =	shalt  }
0x69: {  	_ =	shalt  }
0x6a: {  	_ =	shalt  }
0x6b: {  	_ =	shalt  }
0x6c: {  	_ =	shalt  }
0x6d: {  	_ =	shalt  }
0x6e: {  	_ =	shalt  }
0x6f: {  	_ =	shalt  }
0x70: {  	_ =	shalt  }
0x71: {  	_ =	shalt  }
0x72: {  	_ =	shalt  }
0x73: {  	_ =	shalt  }
0x74: {  	_ =	shalt  }
0x75: {  	_ =	shalt  }
0x76: {  	_ =	shalt  }
0x77: {  	_ =	shalt  }
0x78: {  	_ =	shalt  }
0x79: {  	_ =	shalt  }
0x7a: {  	_ =	shalt  }
0x7b: {  	_ =	shalt  }
0x7c: {  	_ =	shalt  }
0x7d: {  	_ =	shalt  }
0x7e: {  	_ =	shalt  }
0x7f: {  	_ =	shalt  }
0x80: {  	_ =	shalt  }
0x81: {  	_ =	shalt  }
0x82: {  	_ =	shalt  }
0x83: {  	_ =	shalt  }
0x84: {  	_ =	shalt  }
0x85: {  	_ =	shalt  }
0x86: {  	_ =	shalt  }
0x87: {  	_ =	shalt  }
.Lfunc_end0:
.L_simem_size_0:
called_computation_lowered:
.L_overlay_start_0:
0x88: {  	s2 =	sld [smem:$0x3FD9]  }
0x89: {  	s3 =	sld [smem:$0x3FFE];
	_ =	sdelay $0x1  }
0x8a: {  	s1 =	srdreg.scid  }
0x8b: {  	s0 =	sand.u32 $0x1, s1  }
0x8c: {  	s17 =	sshll.u32 s0, $0xA;
	s2 =	sadd.s32 s3, s2  }
0x8d: {  	s2 =	sadd.s32 s2, s17  }
0x8e: {  	[smem:$0x3FC5] =	sst s2  }
0x8f: {  	_ = 	snop  }
0x90: {  	s2 =	sld [smem:$0x3FC8]  }
0x91: {  	s18 =	sld [smem:$0x3FC7]  }
0x92: {  	s4 =	sld [smem:$0x3FD0];
	(tm) =	ssettm $0x1  }
0x93: {  	s5 =	sld [smem:$0x3FFB];
	_ =	sdelay $0x3  }
0x94: {  	_ =	strace s5  }
0x95: {  	s5 =	sld [smem:$0x3FFC];
	_ =	sdelay $0x3  }
0x96: {  	_ =	strace s5  }
0x97: {  	s5 =	sld [smem:$0x3FFD];
	_ =	sdelay $0x3  }
0x98: {  	_ =	strace s5  }
0x99: {  	_ =	strace $0x8FFFFFFF  }
0x9a: {  	s19 =	sld [smem:$0x3FDB];
	_ =	sdelay $0x1  }
0x9b: {  	s6 =	simm.s32 $_scs_section_size  }
0x9c: {  	s7 =	simm.s32 $_size__tile_overlayer_lowered;
	s8 =	simm.s32 $_tile_overlayer_lowered  }
0x9d: {  	s22 =	simm.s32 $0x1BFF;
	s21 =	sshll.u32 s8, $0x1;
	s5 =	sadd.s32 s6, s19  }
0x9e: {  	s9 =	simm.s32 $0x0;
	s20 =	sshll.u32 s7, $0x1;
	s7 =	sadd.s32 s21, s5  }
0x9f: {  	[timem:s9], [sflag:s22] =	dma.local [hbm:s7], s20  }
0xa0: {  	_ =	swait.ge [sflag:s22], s20  }
0xa1: {  	s6 =	ssub.s32 $0x0, s20;
	[sflag:s22] =	ssyncset.done $0x0  }
0xa2: {  	[sflag:s22] =	ssyncadd.s32 s6;
	_ =	sdelay $0x1  }
0xa3: {  	s23 =	simm.s32 $0x1B8B  }
0xa4: {  	_ =	swait.ge [sflag:s23], $0x1  }
0xa5: {  	[sflag:s23] =	ssyncset.done $0x0  }
0xa6: {  	s25 =	simm.s32 $0x1B8E;
	s24 =	sld [smem:$0x3FFE];
	[sflag:s23] =	ssyncadd.s32 $0xFFFFFFFF  }
0xa7: {  	s26 =	simm.s32 $execute0_lowered;
	[smem:$0x3FD2] =	sst s25  }
0xa8: {  	s7 =	sshll.u32 s26, $0x1;
	_ =	strace $0x80000046;
	[dreg:$0x1] =	wrdreg $0xFFFFFFFF  }
0xa9: {  	s28 =	simm.s32 $_size_execute0_lowered;
	s5 =	sadd.s32 s5, s7;
	[dreg:$0x0] =	wrdreg $0x0  }
0xaa: {  	s7 =	sshll.u32 s28, $0x1;
	[dreg:$0x2] =	wrdreg s5  }
0xab: {  	[dreg:$0x3] =	wrdreg s7  }
0xac: {  	[dreg:$0x4] =	wrdreg $0xC0  }
0xad: {  	_ =	task [dreg:s9], $0x5FFFF  }
0xae: {  	[dreg:$0x1] =	wrdreg $0xFFFFFFFF  }
0xaf: {  	[dreg:$0x0] =	wrdreg $0x60  }
0xb0: {  	[dreg:$0x2] =	wrdreg s2  }
0xb1: {  	[dreg:$0x3] =	wrdreg s18  }
0xb2: {  	[dreg:$0x4] =	wrdreg s4  }
0xb3: {  	[dreg:$0x5] =	wrdreg s24  }
0xb4: {  	[dreg:$0x6] =	wrdreg $0x9  }
0xb5: {  	_ =	task.clear_ibuf [dreg:s9], $0x7FFFF;
	_ =	strace $0x90000046  }
0xb6: {  	s29 =	simm.s32 $0x9;
	_ =	strace $0x80000048  }
0xb7: {  	_ =	swait.ge [sflag:s29], $0x1  }
0xb8: {  	[sflag:s29] =	ssyncadd.s32 $0xFFFFFFFF  }
0xb9: {  	_ =	strace $0x90000048  }
0xba: {  	_ =	sfence  }
0xbb: {  	s30 =	sld [smem:$0x0];
	_ =	sdelay $0x2  }
0xbc: {  	s31 =	sshll.u32 s1, $0xD;
	s1 =	sshrl.u32 s1, $0x2  }
0xbd: {  	s3 =	sand.u32 $0x4000, s31;
	s1 =	sadd.s32 s1, s30  }
0xbe: {  	s0 =	sor.u32 s3, s0;
	s1 =	sshll.u32 s1, $0x11  }
0xbf: {  	s0 =	sor.u32 s1, s0  }
0xc0: {  	s0 =	sadd.s32 $0x8F2B, s0  }
0xc1: {  	[sflag:s0] =	ssyncadd.remote.s32 $0x1  }
0xc2: {  	_ =	sfence.sel $0xFFFF  }
0xc3: {  	[dreg:$0x0] =	wrdreg $0xFFFFFFFF;
	(pc) =	sbr.abs _section_cstart, $3  }
0xc4: {  	[dreg:$0x1] =	wrdreg $0xFFFFFFFF  }
0xc5: {  	_ =	task.clear_ibuf [dreg:s9], $0x2FFFF;
	_ =	strace $0x9FFFFFFF  }
0xc6: {  	(tm) =	ssettm $0x7FFFFFFF  }
0xc7: {  	_ =	shalt  }
tec
execute0_lowered:
.L_overlay_start_1:
0x0: {  	(tag) =	ssettag $0x1  }
0x1: {  	s1 =	rddreg [dreg:$0x0]  }
0x2: {  	s2 =	rddreg [dreg:$0x1]  }
0x3: {  	s8 =	rddreg [dreg:$0x2];
	s3 =	srdreg.scid  }
0x4: {  	s0 =	stileid.u32;
	s4 =	rddreg [dreg:$0x3]  }
0x5: {  	s30 =	simm.s32 $0x0;
	s5 =	sand.u32 $0x1, s3;
	s3 =	rddreg [dreg:$0x4]  }
0x6: {  	s6 =	sshll.u32 s0, $0x1;
	[smem:$0x7FF] =	sst s30;
	s10 =	sand.u32 $0xE, s0  }
0x7: {  	p0 =	sgt.u32 s0, $0x1;
	s9 =	sor.u32 s5, s6;
	s5 =	ssub.s32 $0x2, s5  }
0x8: {  	_ =	strace $0x80000047;
	s6 =	sadd.s32 $0x200, s1;
	s7 =	smul.u32 $0x300, s9  }
0x9: {  	p1 =	sne.s32 s10, $0x2;
	s10 =	sadd.s32 $0x200, s2;
	s31 =	sshrl.u32 s5, $0x1  }
0xa: {  	s11 =	ssub.s32 s5, s31;
	s5 =	sadd.s32 $0x100, s1;
	s7 =	sadd.s32 s7, s4  }
0xb: {  	s4 =	sadd.s32 s8, s9;
	s9 =	sand.u32 $0x3, s9;
	s11 =	smax.u32 s11, $0x1  }
0xc: {  	vm0 =	vmmov @!p0 $0xffff;
	vm1 =	vmmov @!p1 $0xffff;
	s7 =	sadd.s32 $0x400, s7;
	s8 =	sadd.s32 s8, s9;
	s9 =	sadd.s32 $0x100, s2  }
.LBB2_1:
0xd: {  	s12 =	simm.s32 @!p0 $0x0;
	s13 =	simm.s32 @!p0 $0x2  }
0xe: {  	[tilespmem:s12], [sflag:$0x2] =	stream.linear.gather @!p0 [hbm4b:s4+s12], $0x8, $0x38;
	[tilespmem:$0x1880] =	vst v63  }
0xf: {  	_ =	swait.ge @!p0 [sflag:s13], $0x8  }
0x10: {  	[sflag:s13] =	ssyncset.done @!p0 $0x0  }
0x11: {  	[sflag:s13] =	ssyncadd.s32 @!p0 $0xFFFFFFF8  }
0x12: {  	v0 =	vld.msk @!p0 [tilespmem:$0x0], $0xff;
	_ =	sdelay $0x4  }
0x13: {  	v1 =	vshrl.u32 @!p0 v0, $0x3  }
0x14: {  	v1 =	vmul.u32 @!p0 $0x30, v1  }
0x15: {  	v2 =	vlaneseq.u32 @!p0;
	v0 =	vand.u32 @!p0 $0x7, v0  }
0x16: {  	v0 =	vor.u32 @!p0 v0, v1;
	v1 =	vand.u32 @!p0 $0x7, v2;
	v2 =	vshrl.u32 @!p0 v2, $0x3  }
0x17: {  	v0 =	vperm.xlane @!p0 v0, v1;
	v1 =	vmul.u32 @!p0 $0x8, v2;
	_ =	sdelay $0x1  }
0x18: {  	v0 =	vadd.s32 @!p0 v1, v0;
	_ =	sdelay $0x3  }
0x19: {  	s14 =	simm.s32 @!p0 $0x80  }
0x1a: {  	[tilespmem:s14], [sflag:$0x1] =	stream.indirect_vreg.gather @!p0 [hbm4b:s1+s12], $0x80, v0, vm0, $0xb8;
	[tilespmem:$0x1880] =	vst v63  }
0x1b: {  	s15 =	simm.s32 @!p0 $0x880  }
0x1c: {  	[tilespmem:s15], [sflag:$0x1] =	stream.indirect_vreg.gather @!p0 [hbm4b:s5+s12], $0x80, v0, vm0, $0xb8;
	[tilespmem:$0x1880] =	vst v63  }
0x1d: {  	s15 =	simm.s32 @!p0 $0x1080  }
0x1e: {  	[tilespmem:s15], [sflag:$0x1] =	stream.indirect_vreg.gather @!p0 [hbm4b:s6+s12], $0x80, v0, vm0, $0xb8;
	[tilespmem:$0x1880] =	vst v63  }
0x1f: {  	s15 =	simm.s32 @!p0 $0x1  }
0x20: {  	_ =	swait.ge @!p0 [sflag:s15], $0x1800  }
0x21: {  	[sflag:s15] =	ssyncset.done @!p0 $0x0  }
0x22: {  	[sflag:s15] =	ssyncadd.s32 @!p0 $0xFFFFE800  }
0x23: {  	[hbm4b:s7+s12] =	stream.linear.scatter @!p0 [tilespmem:s14], [sflag:$0x2], $0x1800, $0x38;
	[tilespmem:$0x1880] =	vst v63  }
0x24: {  	_ =	swait.ge @!p0 [sflag:s13], $0x1800  }
0x25: {  	[sflag:s13] =	ssyncset.done @!p0 $0x0  }
0x26: {  	s12 =	simm.s32 @!p1 $0x0;
	[sflag:s13] =	ssyncadd.s32 @!p0 $0xFFFFE800;
	s13 =	simm.s32 @!p1 $0x2  }
0x27: {  	[tilespmem:s12], [sflag:$0x2] =	stream.linear.gather @!p1 [hbm4b:s8+s12], $0x8, $0x38;
	[tilespmem:$0x1880] =	vst v63  }
0x28: {  	_ =	swait.ge @!p1 [sflag:s13], $0x8  }
0x29: {  	[sflag:s13] =	ssyncset.done @!p1 $0x0  }
0x2a: {  	[sflag:s13] =	ssyncadd.s32 @!p1 $0xFFFFFFF8  }
0x2b: {  	v0 =	vld.msk @!p1 [tilespmem:$0x0], $0xff;
	_ =	sdelay $0x4  }
0x2c: {  	v1 =	vshrl.u32 @!p1 v0, $0x3  }
0x2d: {  	v1 =	vmul.u32 @!p1 $0x30, v1  }
0x2e: {  	v2 =	vlaneseq.u32 @!p1;
	v0 =	vand.u32 @!p1 $0x7, v0  }
0x2f: {  	v0 =	vor.u32 @!p1 v0, v1;
	v1 =	vand.u32 @!p1 $0x7, v2;
	v2 =	vshrl.u32 @!p1 v2, $0x3  }
0x30: {  	v0 =	vperm.xlane @!p1 v0, v1;
	v1 =	vmul.u32 @!p1 $0x8, v2;
	_ =	sdelay $0x1  }
0x31: {  	v0 =	vadd.s32 @!p1 v1, v0;
	_ =	sdelay $0x3  }
0x32: {  	s14 =	simm.s32 @!p1 $0x80  }
0x33: {  	[tilespmem:s14], [sflag:$0x1] =	stream.indirect_vreg.gather @!p1 [hbm4b:s2+s12], $0x80, v0, vm1, $0xb8;
	[tilespmem:$0x1880] =	vst v63  }
0x34: {  	s15 =	simm.s32 @!p1 $0x880  }
0x35: {  	[tilespmem:s15], [sflag:$0x1] =	stream.indirect_vreg.gather @!p1 [hbm4b:s9+s12], $0x80, v0, vm1, $0xb8;
	[tilespmem:$0x1880] =	vst v63  }
0x36: {  	s15 =	simm.s32 @!p1 $0x1080  }
0x37: {  	[tilespmem:s15], [sflag:$0x1] =	stream.indirect_vreg.gather @!p1 [hbm4b:s10+s12], $0x80, v0, vm1, $0xb8;
	[tilespmem:$0x1880] =	vst v63  }
0x38: {  	s15 =	simm.s32 @!p1 $0x1  }
0x39: {  	s11 =	sadd.s32 $0xFFFFFFFF, s11;
	_ =	swait.ge @!p1 [sflag:s15], $0x1800  }
0x3a: {  	p2 =	sne.s32 s11, $0x0;
	[sflag:s15] =	ssyncset.done @!p1 $0x0  }
.Ltmp0:
0x3b: {  	[sflag:s15] =	ssyncadd.s32 @!p1 $0xFFFFE800;
	(pc) =	sbr.rel @p2 .LBB2_1-.Ltmp0, $4  }
0x3c: {  	[hbm4b:s7+s12] =	stream.linear.scatter @!p1 [tilespmem:s14], [sflag:$0x2], $0x1800, $0x38;
	[tilespmem:$0x1880] =	vst v63  }
0x3d: {  	_ =	swait.ge @!p1 [sflag:s13], $0x1800  }
0x3e: {  	[sflag:s13] =	ssyncset.done @!p1 $0x0  }
0x3f: {  	[sflag:s13] =	ssyncadd.s32 @!p1 $0xFFFFE800  }
0x40: {  	_ =	sfence.sel $0x180000  }
0x41: {  	[bflag:$0x0] =	sbarrier.arrive $0xFFFF  }
0x42: {  	p0 =	sne.s32 s0, $0x0;
	_ =	strace $0x90000047  }
0x43: {  	s0 =	sadd.s32 @!p0 $0x100000, s3;
	[bflag:$0x2] =	sbarrier.arrive $0xFFFF  }
0x44: {  	[sflag:s0] =	ssyncadd.tile.s32 @!p0 $0x1;
	_ =	shalt  }
.Lfunc_end2:
_tile_overlayer_lowered:
.L_overlay_start_2:
0x45: {  	(tag) =	ssettag $0x2  }
0x46: {  	s0 =	rddreg [dreg:$0x0];
	s2 =	stileid.u32  }
0x47: {  	s1 =	rddreg [dreg:$0x1];
	p0 =	sne.s32 s2, $0x0  }
0x48: {  	s3 =	rddreg [dreg:$0x2];
	[bflag:$0x3] =	sbarrier.arrive $0xFFFF;
	s2 =	simm.s32 @!p0 $0x1C02  }
0x49: {  	[timem:s3], [sflag:s2] =	dma.local @!p0 [hbm:s0], s1  }
0x4a: {  	s0 =	simm.s32 @!p0 $0x2  }
0x4b: {  	_ =	swait.ge @!p0 [sflag:s0], s1  }
0x4c: {  	s1 =	ssub.s32 @!p0 $0x0, s1;
	[sflag:s0] =	ssyncset.done @!p0 $0x0  }
0x4d: {  	[sflag:s0] =	ssyncadd.s32 @!p0 s1  }
0x4e: {  	[bflag:$0x3] =	sbarrier.arrive $0xFFFF  }
0x4f: {  	_ =	shalt  }

</sc_bundles>
